<compile_context>
chip_gen: v7x
topology: tpu7x:2x2x1
jax: 0.10.2.dev20260603
libtpu: 0.0.44.dev20260713+nightly
codegen_flags: <defaults>
</compile_context>

<pallas_src>
import functools

import jax
import jax.numpy as jnp
from jax import lax
from jax.experimental import pallas as pl
from jax.experimental.pallas import tpu as pltpu
from jax.experimental.pallas import tpu_sc as plsc

_N1 = 6
_N2 = 3
_D = 128
_ROWS = 200
_NOUT = _N1 * _N2


def _body(idx1_hbm, idx2_hbm, xflat_hbm, out_hbm, idx1_s, idx2_s, sem1, sem2,
          gsem):
    cp1 = pltpu.make_async_copy(idx1_hbm, idx1_s, sem1)
    cp2 = pltpu.make_async_copy(idx2_hbm, idx2_s, sem2)
    cp1.start()
    cp2.start()
    cp1.wait()
    cp2.wait()

    def issue(k, carry):
        i = k // _N2
        j = k - i * _N2
        flat = idx1_s[i] * _ROWS + idx2_s[j]
        pltpu.make_async_copy(
            xflat_hbm.at[pl.ds(flat, 1)], out_hbm.at[pl.ds(k, 1)], gsem
        ).start()
        return carry

    def drain(k, carry):
        pltpu.make_async_copy(
            xflat_hbm.at[pl.ds(0, 1)], out_hbm.at[pl.ds(0, 1)], gsem
        ).wait()
        return carry

    lax.fori_loop(0, _NOUT, issue, 0, unroll=False)
    lax.fori_loop(0, _NOUT, drain, 0, unroll=False)


_sc_gather = functools.partial(
    pl.kernel,
    mesh=plsc.ScalarSubcoreMesh(axis_name="c", num_cores=1),
    out_type=jax.ShapeDtypeStruct((_NOUT, _D), jnp.float32),
    scratch_types=[
        pltpu.SMEM((_N1,), jnp.int32),
        pltpu.SMEM((_N2,), jnp.int32),
        pltpu.SemaphoreType.DMA,
        pltpu.SemaphoreType.DMA,
        pltpu.SemaphoreType.DMA,
    ],
)(_body)


@jax.jit
def kernel(x, index1, index2):
    xflat = x.reshape(-1, _D)
    y = _sc_gather(index1.reshape(_N1), index2, xflat)
    return y.reshape(_N1, _N2, _D)

# --- scband reference (transcript-rebuilt; emitter-appended) ---
"""Pipeline reference for scband-index-tensor-multi-input-one-dim-86492051407089 (READ-ONLY COPY).

The authoritative reference and input builder live on the scoring server;
editing this copy changes nothing except your own understanding.
"""

import jax, jax.numpy as jnp
import numpy as np


def setup_inputs(seed: int = 0) -> dict:
    key = jax.random.key(seed)
    k1, k2, k3 = jax.random.split(key, 3)
    x = jax.random.normal(k1, (16384, 200, 128), dtype=jnp.float32)
    index1 = jax.random.randint(k2, (6, 1), 0, 16384, dtype=jnp.int32)
    index2 = jax.random.randint(k3, (3,), 0, 200, dtype=jnp.int32)
    return {"x": x, "index1": index1, "index2": index2}


def reference(x, index1, index2):
    # torch.ops.aten.index(x, (index1, index2)) == advanced indexing on dims 0 and 1.
    # index1 [6,1] broadcasts with index2 [3] -> [6,3]; output is [6, 3, x.shape[2]].
    return x[index1, index2]

if __name__ == "__main__":
    import jax
    _d = setup_inputs()
    print(jax.jit(kernel)(*tuple(_d.values())))

</pallas_src>

<mosaic_0001>
#map = affine_map<(d0) -> (0)>
#map1 = affine_map<(d0) -> (0, 0)>
module attributes {stable_mosaic.version = 14 : i64} {
  func.func @_body(%arg0: i32, %arg1: memref<6xi32, #tpu.memory_space<hbm>>, %arg2: memref<3xi32, #tpu.memory_space<hbm>>, %arg3: memref<3276800x128xf32, #tpu.memory_space<hbm>>, %arg4: memref<18x128xf32, #tpu.memory_space<hbm>>, %arg5: memref<6xi32, #tpu.memory_space<smem>>, %arg6: memref<3xi32, #tpu.memory_space<smem>>, %arg7: memref<!tpu.dma_semaphore, #tpu.memory_space<semaphore_mem>>, %arg8: memref<!tpu.dma_semaphore, #tpu.memory_space<semaphore_mem>>, %arg9: memref<!tpu.dma_semaphore, #tpu.memory_space<semaphore_mem>>) attributes {dimension_semantics = [#tpu.dimension_semantics<core_parallel>], iteration_bounds = array<i64: 1>, scalar_prefetch = 0 : i64, scratch_operands = 5 : i64, tpu.core_type = #tpu.core_type<sc_scalar_subcore>, window_params = [{transform_indices = #map}, {transform_indices = #map}, {transform_indices = #map1}, {transform_indices = #map1}]} {
    tpu.enqueue_dma source(%arg1 : memref<6xi32, #tpu.memory_space<hbm>>) target(%arg5 : memref<6xi32, #tpu.memory_space<smem>>) target_semaphore(%arg7 : memref<!tpu.dma_semaphore, #tpu.memory_space<semaphore_mem>>)
    tpu.enqueue_dma source(%arg2 : memref<3xi32, #tpu.memory_space<hbm>>) target(%arg6 : memref<3xi32, #tpu.memory_space<smem>>) target_semaphore(%arg8 : memref<!tpu.dma_semaphore, #tpu.memory_space<semaphore_mem>>)
    tpu.wait_dma2 semaphore(%arg7 : memref<!tpu.dma_semaphore, #tpu.memory_space<semaphore_mem>>) src(%arg1 : memref<6xi32, #tpu.memory_space<hbm>>) dst(%arg5 : memref<6xi32, #tpu.memory_space<smem>>)
    tpu.wait_dma2 semaphore(%arg8 : memref<!tpu.dma_semaphore, #tpu.memory_space<semaphore_mem>>) src(%arg2 : memref<3xi32, #tpu.memory_space<hbm>>) dst(%arg6 : memref<3xi32, #tpu.memory_space<smem>>)
    %scan3A = arith.constant 0 : i32
    %scan3A_0 = arith.constant 0 : i32
    %scan3A_1 = arith.constant 18 : i32
    %scan3A_2 = arith.addi %scan3A_0, %scan3A_1 : i32
    %scan3A_3 = arith.constant 1 : i32
    scf.for %scan3A_11 = %scan3A_0 to %scan3A_2 step %scan3A_3  : i32 {
      %jit3A = arith.constant 3 : i32
      %div3A = arith.divsi %scan3A_11, %jit3A : i32
      %sign3A = arith.constant 0 : i32
      %sign3A_12 = arith.cmpi sgt, %scan3A_11, %sign3A : i32
      %sign3A_13 = arith.extui %sign3A_12 : i1 to i32
      %sign3A_14 = arith.constant 0 : i32
      %sign3A_15 = arith.cmpi slt, %scan3A_11, %sign3A_14 : i32
      %sign3A_16 = arith.extui %sign3A_15 : i1 to i32
      %sign3A_17 = arith.subi %sign3A_13, %sign3A_16 : i32
      %sign3A_18 = arith.constant 0 : i32
      %sign3A_19 = arith.cmpi sgt, %jit3A, %sign3A_18 : i32
      %sign3A_20 = arith.extui %sign3A_19 : i1 to i32
      %sign3A_21 = arith.constant 0 : i32
      %sign3A_22 = arith.cmpi slt, %jit3A, %sign3A_21 : i32
      %sign3A_23 = arith.extui %sign3A_22 : i1 to i32
      %sign3A_24 = arith.subi %sign3A_20, %sign3A_23 : i32
      %ne3A = arith.cmpi ne, %sign3A_17, %sign3A_24 : i32
      %rem3A = arith.remsi %scan3A_11, %jit3A : i32
      %ne3A_25 = arith.constant 0 : i32
      %ne3A_26 = arith.cmpi ne, %rem3A, %ne3A_25 : i32
      %and3A = arith.andi %ne3A, %ne3A_26 : i1
      %sub3A = arith.constant 1 : i32
      %sub3A_27 = arith.subi %div3A, %sub3A : i32
      %select_n3A = arith.select %and3A, %sub3A_27, %div3A : i32
      %mul3A = arith.constant 3 : i32
      %mul3A_28 = arith.muli %select_n3A, %mul3A : i32
      %sub3A_29 = arith.subi %scan3A_11, %mul3A_28 : i32
      %get3A = arith.index_cast %select_n3A : i32 to index
      %get3A_30 = memref.load %arg5[%get3A] : memref<6xi32, #tpu.memory_space<smem>>
      %mul3A_31 = arith.constant 200 : i32
      %mul3A_32 = arith.muli %get3A_30, %mul3A_31 : i32
      %get3A_33 = arith.index_cast %sub3A_29 : i32 to index
      %get3A_34 = memref.load %arg6[%get3A_33] : memref<3xi32, #tpu.memory_space<smem>>
      %add3A = arith.addi %mul3A_32, %get3A_34 : i32
      %dma_start3A = arith.constant 0 : i32
      %dma_start3A_35 = tpu.memref_slice %arg4[%scan3A_11, %dma_start3A] : memref<18x128xf32, #tpu.memory_space<hbm>> -> memref<1x128xf32, #tpu.memory_space<hbm>>
      %dma_start3A_36 = arith.constant 0 : i32
      %dma_start3A_37 = tpu.memref_slice %arg3[%add3A, %dma_start3A_36] : memref<3276800x128xf32, #tpu.memory_space<hbm>> -> memref<1x128xf32, #tpu.memory_space<hbm>>
      tpu.enqueue_dma source(%dma_start3A_37 : memref<1x128xf32, #tpu.memory_space<hbm>>) target(%dma_start3A_35 : memref<1x128xf32, #tpu.memory_space<hbm>>) target_semaphore(%arg9 : memref<!tpu.dma_semaphore, #tpu.memory_space<semaphore_mem>>)
    }
    %scan3A_4 = arith.constant 18 : i32
    %scan3A_5 = arith.constant 0 : i32
    %scan3A_6 = arith.constant 0 : i32
    %scan3A_7 = arith.constant 18 : i32
    %scan3A_8 = arith.addi %scan3A_6, %scan3A_7 : i32
    %scan3A_9 = arith.constant 1 : i32
    scf.for %scan3A_11 = %scan3A_6 to %scan3A_8 step %scan3A_9  : i32 {
      %dma_wait3A = arith.constant 0 : i32
      %dma_wait3A_12 = arith.constant 0 : i32
      %dma_wait3A_13 = tpu.memref_slice %arg4[%dma_wait3A, %dma_wait3A_12] : memref<18x128xf32, #tpu.memory_space<hbm>> -> memref<1x128xf32, #tpu.memory_space<hbm>>
      %dma_wait3A_14 = arith.constant 0 : i32
      %dma_wait3A_15 = arith.constant 0 : i32
      %dma_wait3A_16 = tpu.memref_slice %arg3[%dma_wait3A_14, %dma_wait3A_15] : memref<3276800x128xf32, #tpu.memory_space<hbm>> -> memref<1x128xf32, #tpu.memory_space<hbm>>
      tpu.wait_dma2 semaphore(%arg9 : memref<!tpu.dma_semaphore, #tpu.memory_space<semaphore_mem>>) src(%dma_wait3A_16 : memref<1x128xf32, #tpu.memory_space<hbm>>) dst(%dma_wait3A_13 : memref<1x128xf32, #tpu.memory_space<hbm>>)
    }
    %scan3A_10 = arith.constant 18 : i32
    return
  }
}

</mosaic_0001>

<sc_bundles>
// kernel: kernel.3.cloned.1.call-start
scs
__scs_entry_jumppad:
0x0: {  	(pc) =	sbr.rel $0x88, $3  }
0x1: {  	(tag) =	ssettag $0x0;
	lr =	simm.s32 $0x1  }
0x2: {  	[smem:$0x3F9E] =	sst lr;
	_ =	strace $0xD0000000  }
0x3: {  	_ = 	snop  }
0x4: {  	_ = 	snop  }
0x5: {  	_ = 	snop  }
0x6: {  	_ = 	snop  }
0x7: {  	_ = 	snop  }
__scs_overlays_trampoline_lowered:
0x8: {  	[smem:$0x3FAD] =	sst s0  }
0x9: {  	[smem:$0x3FAE] =	sst s1  }
0xa: {  	[smem:$0x3FAF] =	sst s2  }
0xb: {  	[smem:$0x3FB0] =	sst s3  }
0xc: {  	[smem:$0x3FB1] =	sst s4  }
0xd: {  	[smem:$0x3FB2] =	sst s5  }
0xe: {  	[smem:$0x3FB3] =	sst s6  }
0xf: {  	[smem:$0x3FB4] =	sst s7  }
0x10: {  	[smem:$0x3FB5] =	sst s8  }
0x11: {  	[smem:$0x3FB6] =	sst s9;
	s0 =	simm.s32 @!p0 $0x0  }
0x12: {  	s1 =	sld [smem:$0x3F9C];
	s0 =	simm.s32 @p0 $0x1  }
0x13: {  	[smem:$0x3FB7] =	sst s0;
	s0 =	simm.s32 @!p1 $0x0  }
0x14: {  	s2 =	sld [smem:$0x3F9B];
	s0 =	simm.s32 @p1 $0x1  }
0x15: {  	[smem:$0x3FB8] =	sst s0;
	s0 =	simm.s32 @!p2 $0x0  }
0x16: {  	s3 =	sld [smem:$0x3FDB];
	s0 =	simm.s32 @p2 $0x1  }
0x17: {  	s4 =	simm.s32 $0x1BF5;
	[smem:$0x3FBA] =	sst s0  }
0x18: {  	s0 =	sld [smem:$0x3F9D];
	_ =	swait.ge [sflag:s4], $0x0  }
0x19: {  	s7 =	sld [smem:$0x3F9E]  }
0x1a: {  	s8 =	sadd.s32 $0xFFFFE003, lr  }
0x1b: {  	s9 =	sadd.s32 $0xFFFFFEF7, lr;
	s5 =	simm.s32 $0xFFFFFFFF;
	p2 =	slt.u32 s8, $0xFFFFF086  }
0x1c: {  	p1 =	slt.u32 s9, $0xF7A;
	s5 =	simm.s32 @!p2 $0x0  }
0x1d: {  	s5 =	simm.s32 @p1 $0x1;
	p0 =	seq.s32 s7, s2  }
0x1e: {  	s7 =	smul.u32 @!p0 $0xF7A, s2;
	p2 =	seq.s32 @!p0 s5, $0x0  }
0x1f: {  	s9 =	smul.u32 $0xF7A, s1;
	s8 =	simm.s32 @!p0 $0x1BF5;
	p2 =	por !p2, p0  }
0x20: {  	[sflag:s8] =	ssyncset.s32 @!p0 $0xFFFFF086;
	s6 =	sadd.s32 @!p0 s3, s7;
	s7 =	simm.s32 @!p0 $0x108  }
0x21: {  	s3 =	sadd.s32 s3, s9;
	s6 =	sadd.s32 @!p0 $0x88, s6;
	s7 =	simm.s32 @p2 $0x1082  }
0x22: {  	[simem:s7], [sflag:s8] =	dma.local @!p0 [hbm:s6], $0xF7A  }
0x23: {  	s9 =	sor.u32 $0xD0000000, s2;
	s6 =	simm.s32 $0x108;
	_ =	swait.ge @!p0 [sflag:s8], $0x0  }
0x24: {  	s3 =	sadd.s32 $0x88, s3;
	s6 =	simm.s32 @!p1 $0x1082;
	[sflag:s4] =	ssyncset.s32 $0xFFFFF086  }
0x25: {  	[simem:s6], [sflag:s4] =	dma.local [hbm:s3], $0xF7A  }
0x26: {  	[smem:$0x3F9E] =	sst s1;
	(tag) =	ssettag s2;
	_ =	strace s9  }
0x27: {  	s1 =	sld [smem:$0x3FAE]  }
0x28: {  	s2 =	sld [smem:$0x3FAF]  }
0x29: {  	s4 =	sld [smem:$0x3FB1]  }
0x2a: {  	p0 =	seq.s32 s5, $0x0;
	s5 =	sld [smem:$0x3FB2]  }
0x2b: {  	s6 =	sld [smem:$0x3FB3]  }
0x2c: {  	s7 =	sld [smem:$0x3FB4]  }
0x2d: {  	s3 =	simm.s32 $0x108;
	s8 =	sld [smem:$0x3FB5]  }
0x2e: {  	s3 =	simm.s32 @!p0 $0x1082;
	s9 =	sld [smem:$0x3FB6]  }
0x2f: {  	lr =	sadd.s32 s0, s3;
	s0 =	sld [smem:$0x3FAD]  }
0x30: {  	s3 =	sld [smem:$0x3FB0]  }
0x31: {  	[smem:$0x3FB9] =	sst s10  }
0x32: {  	s10 =	sld [smem:$0x3FB7];
	_ =	sdelay $0x3  }
0x33: {  	p0 =	seq.s32 s10, $0x1;
	s10 =	sld [smem:$0x3FB9];
	_ =	sdelay $0x3  }
0x34: {  	[smem:$0x3FB9] =	sst s10  }
0x35: {  	s10 =	sld [smem:$0x3FB8];
	_ =	sdelay $0x3  }
0x36: {  	p1 =	seq.s32 s10, $0x1;
	s10 =	sld [smem:$0x3FB9];
	_ =	sdelay $0x3  }
0x37: {  	[smem:$0x3FB9] =	sst s10  }
0x38: {  	s10 =	sld [smem:$0x3FBA]  }
0x39: {  	_ = 	snop;
	(pc) =	sbr.ind lr, $3  }
0x3a: {  	_ = 	snop  }
0x3b: {  	_ = 	snop  }
0x3c: {  	p2 =	seq.s32 s10, $0x1;
	s10 =	sld [smem:$0x3FB9]  }
0x3d: {  	_ =	shalt  }
0x3e: {  	_ =	shalt  }
0x3f: {  	_ =	shalt  }
0x40: {  	_ =	shalt  }
0x41: {  	_ =	shalt  }
0x42: {  	_ =	shalt  }
0x43: {  	_ =	shalt  }
0x44: {  	_ =	shalt  }
0x45: {  	_ =	shalt  }
0x46: {  	_ =	shalt  }
0x47: {  	_ =	shalt  }
0x48: {  	_ =	shalt  }
0x49: {  	_ =	shalt  }
0x4a: {  	_ =	shalt  }
0x4b: {  	_ =	shalt  }
0x4c: {  	_ =	shalt  }
0x4d: {  	_ =	shalt  }
0x4e: {  	_ =	shalt  }
0x4f: {  	_ =	shalt  }
0x50: {  	_ =	shalt  }
0x51: {  	_ =	shalt  }
0x52: {  	_ =	shalt  }
0x53: {  	_ =	shalt  }
0x54: {  	_ =	shalt  }
0x55: {  	_ =	shalt  }
0x56: {  	_ =	shalt  }
0x57: {  	_ =	shalt  }
0x58: {  	_ =	shalt  }
0x59: {  	_ =	shalt  }
0x5a: {  	_ =	shalt  }
0x5b: {  	_ =	shalt  }
0x5c: {  	_ =	shalt  }
0x5d: {  	_ =	shalt  }
0x5e: {  	_ =	shalt  }
0x5f: {  	_ =	shalt  }
0x60: {  	_ =	shalt  }
0x61: {  	_ =	shalt  }
0x62: {  	_ =	shalt  }
0x63: {  	_ =	shalt  }
0x64: {  	_ =	shalt  }
0x65: {  	_ =	shalt  }
0x66: {  	_ =	shalt  }
0x67: {  	_ =	shalt  }
0x68: {  	_ =	shalt  }
0x69: {  	_ =	shalt  }
0x6a: {  	_ =	shalt  }
0x6b: {  	_ =	shalt  }
0x6c: {  	_ =	shalt  }
0x6d: {  	_ =	shalt  }
0x6e: {  	_ =	shalt  }
0x6f: {  	_ =	shalt  }
0x70: {  	_ =	shalt  }
0x71: {  	_ =	shalt  }
0x72: {  	_ =	shalt  }
0x73: {  	_ =	shalt  }
0x74: {  	_ =	shalt  }
0x75: {  	_ =	shalt  }
0x76: {  	_ =	shalt  }
0x77: {  	_ =	shalt  }
0x78: {  	_ =	shalt  }
0x79: {  	_ =	shalt  }
0x7a: {  	_ =	shalt  }
0x7b: {  	_ =	shalt  }
0x7c: {  	_ =	shalt  }
0x7d: {  	_ =	shalt  }
0x7e: {  	_ =	shalt  }
0x7f: {  	_ =	shalt  }
0x80: {  	_ =	shalt  }
0x81: {  	_ =	shalt  }
0x82: {  	_ =	shalt  }
0x83: {  	_ =	shalt  }
0x84: {  	_ =	shalt  }
0x85: {  	_ =	shalt  }
0x86: {  	_ =	shalt  }
0x87: {  	_ =	shalt  }
.Lfunc_end0:
.L_simem_size_0:
called_computation_lowered:
.L_overlay_start_0:
0x88: {  	s0 =	sld [smem:$0x3FD9]  }
0x89: {  	s1 =	sld [smem:$0x3FFE];
	_ =	sdelay $0x3  }
0x8a: {  	s0 =	sadd.s32 s1, s0  }
0x8b: {  	s4 =	simm.s32 $0x0;
	[smem:$0x3FC5] =	sst s0  }
0x8c: {  	[smem:$0xF] =	sst s4  }
0x8d: {  	s1 =	sld [smem:$0x3FC9]  }
0x8e: {  	s0 =	sld [smem:$0x3FC8]  }
0x8f: {  	s3 =	sld [smem:$0x3FC7];
	(tm) =	ssettm $0x1  }
0x90: {  	s2 =	sld [smem:$0x3FFB];
	_ =	sdelay $0x3  }
0x91: {  	_ =	strace s2  }
0x92: {  	s2 =	sld [smem:$0x3FFC];
	_ =	sdelay $0x3  }
0x93: {  	_ =	strace s2  }
0x94: {  	s2 =	sld [smem:$0x3FFD];
	_ =	sdelay $0x3  }
0x95: {  	_ =	strace s2  }
0x96: {  	s22 =	simm.s32 $0x1B8B;
	_ =	strace $0x8FFFFFFF  }
0x97: {  	_ =	swait.ge [sflag:s22], $0x1  }
0x98: {  	[sflag:s22] =	ssyncset.done $0x0  }
0x99: {  	s23 =	simm.s32 $0x1B8E;
	s6 =	simm.s32 $0x9;
	[sflag:s22] =	ssyncadd.s32 $0xFFFFFFFF  }
0x9a: {  	s24 =	simm.s32 $0x10;
	s25 =	simm.s32 $0xA;
	[smem:$0x3FD2] =	sst s23  }
0x9b: {  	s2 =	simm.s32 $0x90;
	s5 =	sld [smem:$0x3FFE];
	_ =	strace $0x80000046  }
0x9c: {  	[smem:s24], [sflag:s6] =	dma.local [hbm:s0], $0x10  }
0x9d: {  	[smem:s2], [sflag:s25] =	dma.local [hbm:s3], $0x10  }
0x9e: {  	_ =	swait.ge [sflag:s6], $0x10  }
0x9f: {  	[sflag:s6] =	ssyncset.done $0x0  }
0xa0: {  	[sflag:s6] =	ssyncadd.s32 $0xFFFFFFF0  }
0xa1: {  	s26 =	smulhi.u32 $0xAAAAAAAB, s4  }
0xa2: {  	s4 =	smul.u32 $0xAB, s4  }
0xa3: {  	_ =	swait.ge [sflag:s25], $0x10  }
0xa4: {  	s4 =	sshrl.u32 s4, $0x9;
	s3 =	sshrl.u32 s26, $0x1;
	[sflag:s25] =	ssyncset.done $0x0  }
0xa5: {  	s29 =	sand.u32 $0x7F, s4;
	s28 =	smul.u32 $0xFFFFFFF4, s3;
	[sflag:s25] =	ssyncadd.s32 $0xFFFFFFF0  }
0xa6: {  	s3 =	sld [smem:s29+$0x10]  }
0xa7: {  	s0 =	sshra.s32 s28, $0x2  }
0xa8: {  	s30 =	sld [smem:s2+s0];
	_ =	sdelay $0x1  }
0xa9: {  	s31 =	simm.s32 $0x1;
	s7 =	smul.u32 $0xC8, s3  }
0xaa: {  	s8 =	smulhi.u32 $0xAAAAAAAB, s31  }
0xab: {  	s4 =	sadd.s32 $0x400, s5;
	s5 =	simm.s32 $0x2;
	s7 =	sadd.s32 s30, s7  }
0xac: {  	s6 =	smul.u32 $0xAB, s31;
	s9 =	sshll.u32 s30, $0x7;
	s7 =	sshll.u32 s7, $0x7  }
0xad: {  	s0 =	srdreg.scid;
	s9 =	sand.u32 $0x380, s9;
	s10 =	sand.u32 $0xFFFFFC00, s7  }
0xae: {  	s3 =	simm.s32 $0xB;
	s7 =	sshrl.u32 s8, $0x1;
	s8 =	sor.u32 s9, s10  }
.LBB1_1:
0xaf: {  	p0 =	sne.s32 s5, $0x11;
	s6 =	sshrl.u32 s6, $0x9;
	s8 =	sshrl.u32 s8, $0x3  }
0xb0: {  	s7 =	smul.u32 $0xFFFFFFF4, s7;
	s6 =	sand.u32 $0x7F, s6;
	s8 =	sadd.s32 s1, s8  }
0xb1: {  	[hbm:s4], [sflag:s3] =	dma.local [hbm:s8], $0x10  }
0xb2: {  	s6 =	sld [smem:s6+$0x10]  }
0xb3: {  	s2 =	sadd.s32 $0x1, s2;
	s7 =	sshra.s32 s7, $0x2  }
0xb4: {  	s7 =	sld [smem:s2+s7];
	_ =	sdelay $0x1  }
0xb5: {  	s6 =	smul.u32 $0xC8, s6;
	_ =	sdelay $0x1  }
.Ltmp0:
0xb6: {  	s4 =	sadd.s32 $0x10, s4;
	s6 =	sadd.s32 s7, s6;
	(pc) =	sbr.rel @p0 .LBB1_1-.Ltmp0, $3  }
0xb7: {  	s8 =	smulhi.u32 $0xAAAAAAAB, s5;
	s7 =	sshll.u32 s7, $0x7;
	s9 =	sshll.u32 s6, $0x7  }
0xb8: {  	s6 =	smul.u32 $0xAB, s5;
	s10 =	sand.u32 $0x380, s7;
	s9 =	sand.u32 $0xFFFFFC00, s9  }
0xb9: {  	s7 =	sshrl.u32 s8, $0x1;
	s5 =	sadd.s32 $0x1, s5;
	s8 =	sor.u32 s10, s9  }
0xba: {  	s5 =	sshrl.u32 s6, $0x9;
	s22 =	sshrl.u32 s8, $0x3  }
0xbb: {  	s7 =	smul.u32 $0xFFFFFFF4, s7;
	s5 =	sand.u32 $0x7F, s5;
	s6 =	sadd.s32 s1, s22  }
0xbc: {  	[hbm:s4], [sflag:s3] =	dma.local [hbm:s6], $0x10  }
0xbd: {  	s5 =	sld [smem:s5+$0x10]  }
0xbe: {  	s2 =	sadd.s32 $0x1, s2;
	s23 =	sshra.s32 s7, $0x2  }
0xbf: {  	s2 =	sld [smem:s2+s23];
	_ =	sdelay $0x1  }
0xc0: {  	s5 =	smul.u32 $0xC8, s5;
	_ =	sdelay $0x1  }
0xc1: {  	s5 =	sadd.s32 s2, s5  }
0xc2: {  	s2 =	sshll.u32 s2, $0x7;
	s5 =	sshll.u32 s5, $0x7  }
0xc3: {  	s2 =	sand.u32 $0x380, s2;
	s5 =	sand.u32 $0xFFFFFC00, s5  }
0xc4: {  	s2 =	sor.u32 s2, s5  }
0xc5: {  	s2 =	sshrl.u32 s2, $0x3  }
0xc6: {  	s24 =	sadd.s32 $0x10, s4;
	s26 =	simm.s32 $0xB;
	s25 =	sadd.s32 s1, s2  }
0xc7: {  	[hbm:s24], [sflag:s3] =	dma.local [hbm:s25], $0x10  }
0xc8: {  	_ =	swait.ge [sflag:s26], $0x10  }
0xc9: {  	[sflag:s26] =	ssyncset.done $0x0  }
0xca: {  	[sflag:s26] =	ssyncadd.s32 $0xFFFFFFF0;
	_ =	sdelay $0x2  }
0xcb: {  	_ =	swait.ge [sflag:s26], $0x10  }
0xcc: {  	[sflag:s26] =	ssyncset.done $0x0  }
0xcd: {  	[sflag:s26] =	ssyncadd.s32 $0xFFFFFFF0;
	_ =	sdelay $0x2  }
0xce: {  	_ =	swait.ge [sflag:s26], $0x10  }
0xcf: {  	[sflag:s26] =	ssyncset.done $0x0  }
0xd0: {  	[sflag:s26] =	ssyncadd.s32 $0xFFFFFFF0;
	_ =	sdelay $0x2  }
0xd1: {  	_ =	swait.ge [sflag:s26], $0x10  }
0xd2: {  	[sflag:s26] =	ssyncset.done $0x0  }
0xd3: {  	[sflag:s26] =	ssyncadd.s32 $0xFFFFFFF0;
	_ =	sdelay $0x2  }
0xd4: {  	_ =	swait.ge [sflag:s26], $0x10  }
0xd5: {  	[sflag:s26] =	ssyncset.done $0x0  }
0xd6: {  	[sflag:s26] =	ssyncadd.s32 $0xFFFFFFF0;
	_ =	sdelay $0x2  }
0xd7: {  	_ =	swait.ge [sflag:s26], $0x10  }
0xd8: {  	[sflag:s26] =	ssyncset.done $0x0  }
0xd9: {  	[sflag:s26] =	ssyncadd.s32 $0xFFFFFFF0;
	_ =	sdelay $0x2  }
0xda: {  	_ =	swait.ge [sflag:s26], $0x10  }
0xdb: {  	[sflag:s26] =	ssyncset.done $0x0  }
0xdc: {  	[sflag:s26] =	ssyncadd.s32 $0xFFFFFFF0;
	_ =	sdelay $0x2  }
0xdd: {  	_ =	swait.ge [sflag:s26], $0x10  }
0xde: {  	[sflag:s26] =	ssyncset.done $0x0  }
0xdf: {  	[sflag:s26] =	ssyncadd.s32 $0xFFFFFFF0;
	_ =	sdelay $0x2  }
0xe0: {  	_ =	swait.ge [sflag:s26], $0x10  }
0xe1: {  	[sflag:s26] =	ssyncset.done $0x0  }
0xe2: {  	[sflag:s26] =	ssyncadd.s32 $0xFFFFFFF0;
	_ =	sdelay $0x2  }
0xe3: {  	_ =	swait.ge [sflag:s26], $0x10  }
0xe4: {  	[sflag:s26] =	ssyncset.done $0x0  }
0xe5: {  	[sflag:s26] =	ssyncadd.s32 $0xFFFFFFF0;
	_ =	sdelay $0x2  }
0xe6: {  	_ =	swait.ge [sflag:s26], $0x10  }
0xe7: {  	[sflag:s26] =	ssyncset.done $0x0  }
0xe8: {  	[sflag:s26] =	ssyncadd.s32 $0xFFFFFFF0;
	_ =	sdelay $0x2  }
0xe9: {  	_ =	swait.ge [sflag:s26], $0x10  }
0xea: {  	[sflag:s26] =	ssyncset.done $0x0  }
0xeb: {  	[sflag:s26] =	ssyncadd.s32 $0xFFFFFFF0;
	_ =	sdelay $0x2  }
0xec: {  	_ =	swait.ge [sflag:s26], $0x10  }
0xed: {  	[sflag:s26] =	ssyncset.done $0x0  }
0xee: {  	[sflag:s26] =	ssyncadd.s32 $0xFFFFFFF0;
	_ =	sdelay $0x2  }
0xef: {  	_ =	swait.ge [sflag:s26], $0x10  }
0xf0: {  	[sflag:s26] =	ssyncset.done $0x0  }
0xf1: {  	[sflag:s26] =	ssyncadd.s32 $0xFFFFFFF0;
	_ =	sdelay $0x2  }
0xf2: {  	_ =	swait.ge [sflag:s26], $0x10  }
0xf3: {  	[sflag:s26] =	ssyncset.done $0x0  }
0xf4: {  	[sflag:s26] =	ssyncadd.s32 $0xFFFFFFF0;
	_ =	sdelay $0x2  }
0xf5: {  	_ =	swait.ge [sflag:s26], $0x10  }
0xf6: {  	[sflag:s26] =	ssyncset.done $0x0  }
0xf7: {  	[sflag:s26] =	ssyncadd.s32 $0xFFFFFFF0;
	_ =	sdelay $0x2  }
0xf8: {  	_ =	swait.ge [sflag:s26], $0x10  }
0xf9: {  	[sflag:s26] =	ssyncset.done $0x0  }
0xfa: {  	[sflag:s26] =	ssyncadd.s32 $0xFFFFFFF0;
	_ =	sdelay $0x2  }
0xfb: {  	_ =	swait.ge [sflag:s26], $0x10  }
0xfc: {  	[sflag:s26] =	ssyncset.done $0x0  }
0xfd: {  	[sflag:s26] =	ssyncadd.s32 $0xFFFFFFF0  }
0xfe: {  	_ =	strace $0x90000046  }
0xff: {  	_ =	sfence  }
0x100: {  	s28 =	sld [smem:$0x0];
	_ =	sdelay $0x2  }
0x101: {  	s29 =	sshll.u32 s0, $0xD;
	s30 =	sshrl.u32 s0, $0x2  }
0x102: {  	s31 =	sand.u32 $0x1, s0;
	s2 =	sand.u32 $0x4000, s29;
	s1 =	sadd.s32 s30, s28  }
0x103: {  	s0 =	sor.u32 s2, s31;
	s1 =	sshll.u32 s1, $0x11  }
0x104: {  	s0 =	sor.u32 s1, s0  }
0x105: {  	s0 =	sadd.s32 $0x8F2B, s0;
	(pc) =	sbr.abs _section_cstart, $3  }
0x106: {  	[sflag:s0] =	ssyncadd.remote.s32 $0x1  }
0x107: {  	_ =	strace $0x9FFFFFFF  }
0x108: {  	(tm) =	ssettm $0x7FFFFFFF  }
0x109: {  	_ =	shalt  }

</sc_bundles>
